<compile_context>
chip_gen: v7x
topology: tpu7x:2x2x1
jax: 0.10.2.dev20260603
libtpu: 0.0.44.dev20260713+nightly
codegen_flags: <defaults>
</compile_context>

<pallas_src>
import jax
import jax.numpy as jnp
from jax import lax
from jax.experimental import pallas as pl
from jax.experimental.pallas import tpu as pltpu
from jax.experimental.pallas import tpu_sc as plsc

B = 16384
NUM = 13
CAT = 26
TOK = NUM + CAT
V = 100000
D = 16

_info = plsc.get_sparse_core_info()
NC, NS = _info.num_cores, _info.num_subcores
NW = NC * NS
BPW = B // NW
G = 128
NGRP = BPW // G
H = 32
NH = G // H

NFT = V // 128
VTAIL = V - NFT * 128
RPF = 12504
VPAD = RPF * 128 // D
NTILE = CAT * NFT
NTI = (NTILE + NW - 1) // NW
NBT = B // 128
NIB = 2
NOB = 2
NBP = NBT // NW


def _fmt_body(cat_hbm, num_hbm, idxt_hbm, xt_hbm, cbuf, nbuf, csem):
    wid = lax.axis_index("s") * NC + lax.axis_index("c")

    def _cmove(i, c):
        bt = wid + i * NW
        pltpu.sync_copy(cat_hbm.at[:, pl.ds(bt * 128, 128)],
                        cbuf.at[pl.ds(0, CAT)])
        pltpu.sync_copy(num_hbm.at[:, pl.ds(bt * 128, 128)],
                        nbuf.at[pl.ds(0, NUM)])
        pltpu.async_copy(cbuf, idxt_hbm.at[pl.ds(bt * 32, 32)], csem)
        pltpu.async_copy(nbuf, xt_hbm.at[pl.ds(bt * 16, 16)], csem)
        pltpu.make_async_copy(cbuf, idxt_hbm.at[pl.ds(bt * 32, 32)],
                              csem).wait()
        pltpu.make_async_copy(nbuf, xt_hbm.at[pl.ds(bt * 16, 16)],
                              csem).wait()
        return c
    lax.fori_loop(0, NBP, _cmove, 0)


@jax.jit
def _fmt(catT, xT):
    mesh = plsc.VectorSubcoreMesh(core_axis_name="c", subcore_axis_name="s")
    return pl.kernel(
        _fmt_body,
        out_type=(
            jax.ShapeDtypeStruct((NBT * 32, 128), jnp.int32),
            jax.ShapeDtypeStruct((NBT * 16, 128), jnp.float32),
        ),
        mesh=mesh,
        scratch_types=[
            pltpu.VMEM((32, 128), jnp.int32),
            pltpu.VMEM((16, 128), jnp.float32),
            pltpu.SemaphoreType.DMA,
        ],
        compiler_params=pltpu.CompilerParams(use_tc_tiling_on_sc=True,
                                             needs_layout_passes=False),
    )(catT, xT)


def _tok_body(xt_hbm, idxt_hbm, tbl_hbm, w_hbm, bias_hbm, out_hbm,
              idxt_v, xt_v, w_v, bias_v, gbuf, stage, gsem0, gsem1, osem):
    wid = lax.axis_index("s") * NC + lax.axis_index("c")
    base = wid * BPW

    pltpu.sync_copy(w_hbm, w_v)
    pltpu.sync_copy(bias_hbm, bias_v)

    lanes = jax.lax.iota(jnp.int32, 16)
    lanes3 = lanes >> 3
    icol = (lanes & 7) * 128
    gsems = (gsem0, gsem1)

    def _fire(h, hb):
        off = pl.multiple_of(h * H, H)

        def _fj(j, c):
            for d in range(D):
                pltpu.async_copy(
                    tbl_hbm.at[j, d].at[idxt_v.at[j, pl.ds(off, H)]],
                    gbuf.at[hb, j, d], gsems[hb])
            return c
        lax.fori_loop(0, CAT, _fj, 0)

    def _drain(h, hb):
        off = pl.multiple_of(h * H, H)

        def _dj(j, c):
            for d in range(D):
                pltpu.make_async_copy(
                    tbl_hbm.at[j, d].at[idxt_v.at[j, pl.ds(off, H)]],
                    gbuf.at[hb, j, d], gsems[hb]).wait()
            return c
        lax.fori_loop(0, CAT, _dj, 0)

    def _group(g, carry):
        btv = wid * NGRP + g
        pltpu.sync_copy(idxt_hbm.at[btv, pl.ds(0, CAT)], idxt_v)
        pltpu.sync_copy(xt_hbm.at[btv, pl.ds(0, NUM)], xt_v)

        _fire(0, 0)

        @pl.when(g > 0)
        def _():
            pltpu.make_async_copy(
                stage, out_hbm.at[:, wid * NGRP + g - 1],
                osem).wait()

        for n in range(NUM):
            wv = w_v[n]
            bv = bias_v[n]
            for dt in range(2):
                for din in range(8):
                    d = dt * 8 + din
                    sw = wv[d]
                    sb = bv[d]

                    def _numk(k, c, n=n, dt=dt, din=din, sw=sw, sb=sb):
                        koff = pl.multiple_of(k * 16, 16)
                        xv = xt_v[n, pl.ds(koff, 16)]
                        stage[n * 2 + dt,
                              pl.ds(din * 128 + k * 16, 16)] = xv * sw + sb
                        return c
                    lax.fori_loop(0, G // 16, _numk, 0)

        for h in range(NH):
            hb = h % 2
            _drain(h, hb)
            if h + 1 < NH:
                _fire(h + 1, (h + 1) % 2)

            def _asm(j, c, h=h, hb=hb):
                for dt in range(2):
                    for din in range(8):
                        d = dt * 8 + din
                        for kk in range(H // 16):
                            stage[(NUM + j) * 2 + dt,
                                  pl.ds(din * 128 + h * H + kk * 16, 16)] = (
                                      gbuf[hb, j, d, pl.ds(kk * 16, 16)])
                return c
            lax.fori_loop(0, CAT, _asm, 0)

        pltpu.async_copy(stage, out_hbm.at[:, wid * NGRP + g],
                         osem)
        return carry

    lax.fori_loop(0, NGRP, _group, 0)
    pltpu.make_async_copy(
        stage, out_hbm.at[:, wid * NGRP + NGRP - 1], osem).wait()


@jax.jit
def _tok(xt, idxt, tbl, W, b):
    mesh = plsc.VectorSubcoreMesh(core_axis_name="c", subcore_axis_name="s")
    return pl.kernel(
        _tok_body,
        out_type=jax.ShapeDtypeStruct((TOK * 2, B // G, 8 * 128), jnp.float32),
        mesh=mesh,
        scratch_types=[
            pltpu.VMEM((CAT, G), jnp.int32),
            pltpu.VMEM((NUM, G), jnp.float32),
            pltpu.VMEM((NUM, D), jnp.float32),
            pltpu.VMEM((NUM, D), jnp.float32),
            pltpu.VMEM((2, CAT, D, H), jnp.float32),
            pltpu.VMEM((TOK * 2, 8 * 128), jnp.float32),
            pltpu.SemaphoreType.DMA,
            pltpu.SemaphoreType.DMA,
            pltpu.SemaphoreType.DMA,
        ],
        compiler_params=pltpu.CompilerParams(use_tc_tiling_on_sc=False,
                                             needs_layout_passes=False),
    )(xt, idxt, tbl, W, b)


def kernel(numerical_features, categorical_features, tables, W, b):
    tt = tables.transpose(0, 2, 1)
    catT = categorical_features.T
    xT = numerical_features.T
    idxt, xt = _fmt(catT, xT)
    out = _tok(xt.reshape(B // G, 16, 128), idxt.reshape(B // G, 32, 128),
               tt, W, b)
    out = out.reshape(TOK, 2, B // G, 8, 128)
    out = out.transpose(2, 4, 0, 1, 3)
    return out.reshape(B, TOK, D)

# --- scband reference (transcript-rebuilt; emitter-appended) ---
"""Pipeline reference for scband-feature-tokenizer-61048665145870 (READ-ONLY COPY).

The authoritative reference and input builder live on the scoring server;
editing this copy changes nothing except your own understanding.
"""

import jax, jax.numpy as jnp
import numpy as np

B = 16384      # batch
NUM = 13       # numerical features
CAT = 26       # categorical features
V = 100000     # vocab per categorical feature (post StringLookup)
D = 16         # embedding_dim


def setup_inputs(seed: int = 0) -> dict:
    key = jax.random.key(seed)
    k1, k2, k3, k4, k5 = jax.random.split(key, 5)
    numerical_features = jax.random.normal(k1, (B, NUM), dtype=jnp.float32)
    # StringLookup output: integer ids in [0, V). We model the post-lookup ids directly.
    categorical_features = jax.random.randint(k2, (B, CAT), 0, V, dtype=jnp.int32)
    # One embedding table per categorical feature, stacked: [CAT, V, D]
    tables = jax.random.normal(k3, (CAT, V, D), dtype=jnp.float32) * 0.02
    # NumericalFeatureTokenizer weights: W[NUM, D], b[NUM, D] ('normal' init)
    W = jax.random.normal(k4, (NUM, D), dtype=jnp.float32) * 0.05
    b = jax.random.normal(k5, (NUM, D), dtype=jnp.float32) * 0.05
    return {
        "numerical_features": numerical_features,
        "categorical_features": categorical_features,
        "tables": tables,
        "W": W,
        "b": b,
    }


def reference(numerical_features, categorical_features, tables, W, b):
    # NumericalFeatureTokenizer: outputs = W[None] * inputs[..., None] + b[None]
    num_tokens = W[None] * numerical_features[..., None] + b[None]  # [B, NUM, D]

    # CategoricalFeatureTokenizer: per-feature embedding lookup, then concat along axis=1
    cat_embeds = []
    for j in range(CAT):
        ids_j = categorical_features[:, j]            # [B]
        emb_j = jnp.take(tables[j], ids_j, axis=0)    # [B, D] (SparseCore gather)
        cat_embeds.append(emb_j[:, None, :])          # [B, 1, D]
    cat_tokens = jnp.concatenate(cat_embeds, axis=1)  # [B, CAT, D]

    # FeatureTokenizer: concat numerical + categorical tokens along token axis
    out = jnp.concatenate([num_tokens, cat_tokens], axis=1)  # [B, NUM+CAT, D]
    return out

if __name__ == "__main__":
    import jax
    _d = setup_inputs()
    print(jax.jit(kernel)(*tuple(_d.values())))

</pallas_src>

<mosaic_0001>
#map = affine_map<(d0, d1) -> (0, 0)>
module attributes {stable_mosaic.version = 14 : i64} {
  func.func @_fmt_body(%arg0: i32, %arg1: i32, %arg2: memref<26x16384xi32, #tpu.memory_space<hbm>>, %arg3: memref<13x16384xf32, #tpu.memory_space<hbm>>, %arg4: memref<4096x128xi32, #tpu.memory_space<hbm>>, %arg5: memref<2048x128xf32, #tpu.memory_space<hbm>>, %arg6: memref<32x128xi32, #tpu.memory_space<vmem>>, %arg7: memref<16x128xf32, #tpu.memory_space<vmem>>, %arg8: memref<!tpu.dma_semaphore, #tpu.memory_space<semaphore_mem>>) attributes {dimension_semantics = [#tpu.dimension_semantics<core_parallel>, #tpu.dimension_semantics<subcore_parallel>], iteration_bounds = array<i64: 2, 16>, scalar_prefetch = 0 : i64, scratch_operands = 3 : i64, tpu.core_type = #tpu.core_type<sc_vector_subcore>, window_params = [{transform_indices = #map}, {transform_indices = #map}, {transform_indices = #map}, {transform_indices = #map}]} {
    %mul3A = arith.constant 2 : i32
    %mul3A_0 = arith.muli %arg1, %mul3A : i32
    %add3A = arith.addi %mul3A_0, %arg0 : i32
    %scan3A = arith.constant 0 : i32
    %scan3A_1 = arith.constant 0 : i32
    %scan3A_2 = arith.constant 4 : i32
    %scan3A_3 = arith.addi %scan3A_1, %scan3A_2 : i32
    %scan3A_4 = arith.constant 1 : i32
    scf.for %scan3A_6 = %scan3A_1 to %scan3A_3 step %scan3A_4  : i32 {
      %mul3A_7 = arith.constant 32 : i32
      %mul3A_8 = arith.muli %scan3A_6, %mul3A_7 : i32
      %add3A_9 = arith.addi %add3A, %mul3A_8 : i32
      %mul3A_10 = arith.constant 128 : i32
      %mul3A_11 = arith.muli %add3A_9, %mul3A_10 : i32
      "tpu.region"() ({
        %run_scoped3A = tpu.sem_alloc : memref<!tpu.dma_semaphore, #tpu.memory_space<semaphore_mem>>
        %dma_start3A_36 = arith.constant 0 : i32
        %dma_start3A_37 = arith.constant 0 : i32
        %dma_start3A_38 = tpu.memref_slice %arg6[%dma_start3A_36, %dma_start3A_37] : memref<32x128xi32, #tpu.memory_space<vmem>> -> memref<26x128xi32, #tpu.memory_space<vmem>>
        %dma_start3A_39 = arith.constant 0 : i32
        %dma_start3A_40 = tpu.memref_slice %arg2[%dma_start3A_39, %mul3A_11] : memref<26x16384xi32, #tpu.memory_space<hbm>> -> memref<26x128xi32, #tpu.memory_space<hbm>>
        %dma_start3A_41 = arith.constant 0 : i32
        %dma_start3A_42 = arith.constant 0 : i32
        %dma_start3A_43 = tpu.memref_slice %arg6[%dma_start3A_41, %dma_start3A_42] : memref<32x128xi32, #tpu.memory_space<vmem>> -> memref<26x128xi32, #tpu.memory_space<vmem>>
        %dma_start3A_44 = arith.constant 0 : i32
        %dma_start3A_45 = tpu.memref_slice %arg2[%dma_start3A_44, %mul3A_11] : memref<26x16384xi32, #tpu.memory_space<hbm>> -> memref<26x128xi32, #tpu.memory_space<hbm>>
        tpu.enqueue_dma source(%dma_start3A_45 : memref<26x128xi32, #tpu.memory_space<hbm>>) target(%dma_start3A_43 : memref<26x128xi32, #tpu.memory_space<vmem>>) target_semaphore(%run_scoped3A : memref<!tpu.dma_semaphore, #tpu.memory_space<semaphore_mem>>)
        %dma_wait3A_46 = arith.constant 0 : i32
        %dma_wait3A_47 = arith.constant 0 : i32
        %dma_wait3A_48 = tpu.memref_slice %arg6[%dma_wait3A_46, %dma_wait3A_47] : memref<32x128xi32, #tpu.memory_space<vmem>> -> memref<26x128xi32, #tpu.memory_space<vmem>>
        %dma_wait3A_49 = arith.constant 0 : i32
        %dma_wait3A_50 = tpu.memref_slice %arg2[%dma_wait3A_49, %mul3A_11] : memref<26x16384xi32, #tpu.memory_space<hbm>> -> memref<26x128xi32, #tpu.memory_space<hbm>>
        %dma_wait3A_51 = arith.constant 0 : i32
        %dma_wait3A_52 = arith.constant 0 : i32
        %dma_wait3A_53 = tpu.memref_slice %arg6[%dma_wait3A_51, %dma_wait3A_52] : memref<32x128xi32, #tpu.memory_space<vmem>> -> memref<26x128xi32, #tpu.memory_space<vmem>>
        %dma_wait3A_54 = arith.constant 0 : i32
        %dma_wait3A_55 = tpu.memref_slice %arg2[%dma_wait3A_54, %mul3A_11] : memref<26x16384xi32, #tpu.memory_space<hbm>> -> memref<26x128xi32, #tpu.memory_space<hbm>>
        tpu.wait_dma2 semaphore(%run_scoped3A : memref<!tpu.dma_semaphore, #tpu.memory_space<semaphore_mem>>) src(%dma_wait3A_55 : memref<26x128xi32, #tpu.memory_space<hbm>>) dst(%dma_wait3A_53 : memref<26x128xi32, #tpu.memory_space<vmem>>)
        tpu.yield
      }) : () -> ()
      %mul3A_12 = arith.constant 128 : i32
      %mul3A_13 = arith.muli %add3A_9, %mul3A_12 : i32
      "tpu.region"() ({
        %run_scoped3A = tpu.sem_alloc : memref<!tpu.dma_semaphore, #tpu.memory_space<semaphore_mem>>
        %dma_start3A_36 = arith.constant 0 : i32
        %dma_start3A_37 = arith.constant 0 : i32
        %dma_start3A_38 = tpu.memref_slice %arg7[%dma_start3A_36, %dma_start3A_37] : memref<16x128xf32, #tpu.memory_space<vmem>> -> memref<13x128xf32, #tpu.memory_space<vmem>>
        %dma_start3A_39 = arith.constant 0 : i32
        %dma_start3A_40 = tpu.memref_slice %arg3[%dma_start3A_39, %mul3A_13] : memref<13x16384xf32, #tpu.memory_space<hbm>> -> memref<13x128xf32, #tpu.memory_space<hbm>>
        %dma_start3A_41 = arith.constant 0 : i32
        %dma_start3A_42 = arith.constant 0 : i32
        %dma_start3A_43 = tpu.memref_slice %arg7[%dma_start3A_41, %dma_start3A_42] : memref<16x128xf32, #tpu.memory_space<vmem>> -> memref<13x128xf32, #tpu.memory_space<vmem>>
        %dma_start3A_44 = arith.constant 0 : i32
        %dma_start3A_45 = tpu.memref_slice %arg3[%dma_start3A_44, %mul3A_13] : memref<13x16384xf32, #tpu.memory_space<hbm>> -> memref<13x128xf32, #tpu.memory_space<hbm>>
        tpu.enqueue_dma source(%dma_start3A_45 : memref<13x128xf32, #tpu.memory_space<hbm>>) target(%dma_start3A_43 : memref<13x128xf32, #tpu.memory_space<vmem>>) target_semaphore(%run_scoped3A : memref<!tpu.dma_semaphore, #tpu.memory_space<semaphore_mem>>)
        %dma_wait3A_46 = arith.constant 0 : i32
        %dma_wait3A_47 = arith.constant 0 : i32
        %dma_wait3A_48 = tpu.memref_slice %arg7[%dma_wait3A_46, %dma_wait3A_47] : memref<16x128xf32, #tpu.memory_space<vmem>> -> memref<13x128xf32, #tpu.memory_space<vmem>>
        %dma_wait3A_49 = arith.constant 0 : i32
        %dma_wait3A_50 = tpu.memref_slice %arg3[%dma_wait3A_49, %mul3A_13] : memref<13x16384xf32, #tpu.memory_space<hbm>> -> memref<13x128xf32, #tpu.memory_space<hbm>>
        %dma_wait3A_51 = arith.constant 0 : i32
        %dma_wait3A_52 = arith.constant 0 : i32
        %dma_wait3A_53 = tpu.memref_slice %arg7[%dma_wait3A_51, %dma_wait3A_52] : memref<16x128xf32, #tpu.memory_space<vmem>> -> memref<13x128xf32, #tpu.memory_space<vmem>>
        %dma_wait3A_54 = arith.constant 0 : i32
        %dma_wait3A_55 = tpu.memref_slice %arg3[%dma_wait3A_54, %mul3A_13] : memref<13x16384xf32, #tpu.memory_space<hbm>> -> memref<13x128xf32, #tpu.memory_space<hbm>>
        tpu.wait_dma2 semaphore(%run_scoped3A : memref<!tpu.dma_semaphore, #tpu.memory_space<semaphore_mem>>) src(%dma_wait3A_55 : memref<13x128xf32, #tpu.memory_space<hbm>>) dst(%dma_wait3A_53 : memref<13x128xf32, #tpu.memory_space<vmem>>)
        tpu.yield
      }) : () -> ()
      %mul3A_14 = arith.constant 32 : i32
      %mul3A_15 = arith.muli %add3A_9, %mul3A_14 : i32
      %dma_start3A = arith.constant 0 : i32
      %dma_start3A_16 = tpu.memref_slice %arg4[%mul3A_15, %dma_start3A] : memref<4096x128xi32, #tpu.memory_space<hbm>> -> memref<32x128xi32, #tpu.memory_space<hbm>>
      %dma_start3A_17 = arith.constant 0 : i32
      %dma_start3A_18 = tpu.memref_slice %arg4[%mul3A_15, %dma_start3A_17] : memref<4096x128xi32, #tpu.memory_space<hbm>> -> memref<32x128xi32, #tpu.memory_space<hbm>>
      tpu.enqueue_dma source(%arg6 : memref<32x128xi32, #tpu.memory_space<vmem>>) target(%dma_start3A_18 : memref<32x128xi32, #tpu.memory_space<hbm>>) target_semaphore(%arg8 : memref<!tpu.dma_semaphore, #tpu.memory_space<semaphore_mem>>)
      %mul3A_19 = arith.constant 16 : i32
      %mul3A_20 = arith.muli %add3A_9, %mul3A_19 : i32
      %dma_start3A_21 = arith.constant 0 : i32
      %dma_start3A_22 = tpu.memref_slice %arg5[%mul3A_20, %dma_start3A_21] : memref<2048x128xf32, #tpu.memory_space<hbm>> -> memref<16x128xf32, #tpu.memory_space<hbm>>
      %dma_start3A_23 = arith.constant 0 : i32
      %dma_start3A_24 = tpu.memref_slice %arg5[%mul3A_20, %dma_start3A_23] : memref<2048x128xf32, #tpu.memory_space<hbm>> -> memref<16x128xf32, #tpu.memory_space<hbm>>
      tpu.enqueue_dma source(%arg7 : memref<16x128xf32, #tpu.memory_space<vmem>>) target(%dma_start3A_24 : memref<16x128xf32, #tpu.memory_space<hbm>>) target_semaphore(%arg8 : memref<!tpu.dma_semaphore, #tpu.memory_space<semaphore_mem>>)
      %mul3A_25 = arith.constant 32 : i32
      %mul3A_26 = arith.muli %add3A_9, %mul3A_25 : i32
      %dma_wait3A = arith.constant 0 : i32
      %dma_wait3A_27 = tpu.memref_slice %arg4[%mul3A_26, %dma_wait3A] : memref<4096x128xi32, #tpu.memory_space<hbm>> -> memref<32x128xi32, #tpu.memory_space<hbm>>
      %dma_wait3A_28 = arith.constant 0 : i32
      %dma_wait3A_29 = tpu.memref_slice %arg4[%mul3A_26, %dma_wait3A_28] : memref<4096x128xi32, #tpu.memory_space<hbm>> -> memref<32x128xi32, #tpu.memory_space<hbm>>
      tpu.wait_dma2 semaphore(%arg8 : memref<!tpu.dma_semaphore, #tpu.memory_space<semaphore_mem>>) src(%arg6 : memref<32x128xi32, #tpu.memory_space<vmem>>) dst(%dma_wait3A_29 : memref<32x128xi32, #tpu.memory_space<hbm>>)
      %mul3A_30 = arith.constant 16 : i32
      %mul3A_31 = arith.muli %add3A_9, %mul3A_30 : i32
      %dma_wait3A_32 = arith.constant 0 : i32
      %dma_wait3A_33 = tpu.memref_slice %arg5[%mul3A_31, %dma_wait3A_32] : memref<2048x128xf32, #tpu.memory_space<hbm>> -> memref<16x128xf32, #tpu.memory_space<hbm>>
      %dma_wait3A_34 = arith.constant 0 : i32
      %dma_wait3A_35 = tpu.memref_slice %arg5[%mul3A_31, %dma_wait3A_34] : memref<2048x128xf32, #tpu.memory_space<hbm>> -> memref<16x128xf32, #tpu.memory_space<hbm>>
      tpu.wait_dma2 semaphore(%arg8 : memref<!tpu.dma_semaphore, #tpu.memory_space<semaphore_mem>>) src(%arg7 : memref<16x128xf32, #tpu.memory_space<vmem>>) dst(%dma_wait3A_35 : memref<16x128xf32, #tpu.memory_space<hbm>>)
    }
    %scan3A_5 = arith.constant 4 : i32
    return
  }
}

</mosaic_0001>

<sc_bundles>
// kernel: _fmt.3.cloned.1.call-start
scs
__scs_entry_jumppad:
0x0: {  	(pc) =	sbr.rel $0x88, $3  }
0x1: {  	(tag) =	ssettag $0x0;
	lr =	simm.s32 $0x1  }
0x2: {  	[smem:$0x3F9F] =	sst lr;
	_ =	strace $0xD0000000  }
0x3: {  	_ = 	snop  }
0x4: {  	_ = 	snop  }
0x5: {  	_ = 	snop  }
0x6: {  	_ = 	snop  }
0x7: {  	_ = 	snop  }
__scs_overlays_trampoline_lowered:
0x8: {  	[smem:$0x3FAE] =	sst s0  }
0x9: {  	[smem:$0x3FAF] =	sst s1  }
0xa: {  	[smem:$0x3FB0] =	sst s2  }
0xb: {  	[smem:$0x3FB1] =	sst s3  }
0xc: {  	[smem:$0x3FB2] =	sst s4  }
0xd: {  	[smem:$0x3FB3] =	sst s5  }
0xe: {  	[smem:$0x3FB4] =	sst s6  }
0xf: {  	[smem:$0x3FB5] =	sst s7  }
0x10: {  	[smem:$0x3FB6] =	sst s8  }
0x11: {  	[smem:$0x3FB7] =	sst s9;
	s0 =	simm.s32 @!p0 $0x0  }
0x12: {  	s1 =	sld [smem:$0x3F9D];
	s0 =	simm.s32 @p0 $0x1  }
0x13: {  	[smem:$0x3FB8] =	sst s0;
	s0 =	simm.s32 @!p1 $0x0  }
0x14: {  	s2 =	sld [smem:$0x3F9C];
	s0 =	simm.s32 @p1 $0x1  }
0x15: {  	[smem:$0x3FB9] =	sst s0;
	s0 =	simm.s32 @!p2 $0x0  }
0x16: {  	s3 =	sld [smem:$0x3FDB];
	s0 =	simm.s32 @p2 $0x1  }
0x17: {  	s4 =	simm.s32 $0x1BF5;
	[smem:$0x3FBB] =	sst s0  }
0x18: {  	s0 =	sld [smem:$0x3F9E];
	_ =	swait.ge [sflag:s4], $0x0  }
0x19: {  	s7 =	sld [smem:$0x3F9F]  }
0x1a: {  	s8 =	sadd.s32 $0xFFFFE003, lr  }
0x1b: {  	s9 =	sadd.s32 $0xFFFFFEF7, lr;
	s5 =	simm.s32 $0xFFFFFFFF;
	p2 =	slt.u32 s8, $0xFFFFF086  }
0x1c: {  	p1 =	slt.u32 s9, $0xF7A;
	s5 =	simm.s32 @!p2 $0x0  }
0x1d: {  	s5 =	simm.s32 @p1 $0x1;
	p0 =	seq.s32 s7, s2  }
0x1e: {  	s7 =	smul.u32 @!p0 $0xF7A, s2;
	p2 =	seq.s32 @!p0 s5, $0x0  }
0x1f: {  	s9 =	smul.u32 $0xF7A, s1;
	s8 =	simm.s32 @!p0 $0x1BF5;
	p2 =	por !p2, p0  }
0x20: {  	[sflag:s8] =	ssyncset.s32 @!p0 $0xFFFFF086;
	s6 =	sadd.s32 @!p0 s3, s7;
	s7 =	simm.s32 @!p0 $0x108  }
0x21: {  	s3 =	sadd.s32 s3, s9;
	s6 =	sadd.s32 @!p0 $0x88, s6;
	s7 =	simm.s32 @p2 $0x1082  }
0x22: {  	[simem:s7], [sflag:s8] =	dma.local @!p0 [hbm:s6], $0xF7A  }
0x23: {  	s9 =	sor.u32 $0xD0000000, s2;
	s6 =	simm.s32 $0x108;
	_ =	swait.ge @!p0 [sflag:s8], $0x0  }
0x24: {  	s3 =	sadd.s32 $0x88, s3;
	s6 =	simm.s32 @!p1 $0x1082;
	[sflag:s4] =	ssyncset.s32 $0xFFFFF086  }
0x25: {  	[simem:s6], [sflag:s4] =	dma.local [hbm:s3], $0xF7A  }
0x26: {  	[smem:$0x3F9F] =	sst s1;
	(tag) =	ssettag s2;
	_ =	strace s9  }
0x27: {  	s1 =	sld [smem:$0x3FAF]  }
0x28: {  	s2 =	sld [smem:$0x3FB0]  }
0x29: {  	s4 =	sld [smem:$0x3FB2]  }
0x2a: {  	p0 =	seq.s32 s5, $0x0;
	s5 =	sld [smem:$0x3FB3]  }
0x2b: {  	s6 =	sld [smem:$0x3FB4]  }
0x2c: {  	s7 =	sld [smem:$0x3FB5]  }
0x2d: {  	s3 =	simm.s32 $0x108;
	s8 =	sld [smem:$0x3FB6]  }
0x2e: {  	s3 =	simm.s32 @!p0 $0x1082;
	s9 =	sld [smem:$0x3FB7]  }
0x2f: {  	lr =	sadd.s32 s0, s3;
	s0 =	sld [smem:$0x3FAE]  }
0x30: {  	s3 =	sld [smem:$0x3FB1]  }
0x31: {  	[smem:$0x3FBA] =	sst s10  }
0x32: {  	s10 =	sld [smem:$0x3FB8];
	_ =	sdelay $0x3  }
0x33: {  	p0 =	seq.s32 s10, $0x1;
	s10 =	sld [smem:$0x3FBA];
	_ =	sdelay $0x3  }
0x34: {  	[smem:$0x3FBA] =	sst s10  }
0x35: {  	s10 =	sld [smem:$0x3FB9];
	_ =	sdelay $0x3  }
0x36: {  	p1 =	seq.s32 s10, $0x1;
	s10 =	sld [smem:$0x3FBA];
	_ =	sdelay $0x3  }
0x37: {  	[smem:$0x3FBA] =	sst s10  }
0x38: {  	s10 =	sld [smem:$0x3FBB]  }
0x39: {  	_ = 	snop;
	(pc) =	sbr.ind lr, $3  }
0x3a: {  	_ = 	snop  }
0x3b: {  	_ = 	snop  }
0x3c: {  	p2 =	seq.s32 s10, $0x1;
	s10 =	sld [smem:$0x3FBA]  }
0x3d: {  	_ =	shalt  }
0x3e: {  	_ =	shalt  }
0x3f: {  	_ =	shalt  }
0x40: {  	_ =	shalt  }
0x41: {  	_ =	shalt  }
0x42: {  	_ =	shalt  }
0x43: {  	_ =	shalt  }
0x44: {  	_ =	shalt  }
0x45: {  	_ =	shalt  }
0x46: {  	_ =	shalt  }
0x47: {  	_ =	shalt  }
0x48: {  	_ =	shalt  }
0x49: {  	_ =	shalt  }
0x4a: {  	_ =	shalt  }
0x4b: {  	_ =	shalt  }
0x4c: {  	_ =	shalt  }
0x4d: {  	_ =	shalt  }
0x4e: {  	_ =	shalt  }
0x4f: {  	_ =	shalt  }
0x50: {  	_ =	shalt  }
0x51: {  	_ =	shalt  }
0x52: {  	_ =	shalt  }
0x53: {  	_ =	shalt  }
0x54: {  	_ =	shalt  }
0x55: {  	_ =	shalt  }
0x56: {  	_ =	shalt  }
0x57: {  	_ =	shalt  }
0x58: {  	_ =	shalt  }
0x59: {  	_ =	shalt  }
0x5a: {  	_ =	shalt  }
0x5b: {  	_ =	shalt  }
0x5c: {  	_ =	shalt  }
0x5d: {  	_ =	shalt  }
0x5e: {  	_ =	shalt  }
0x5f: {  	_ =	shalt  }
0x60: {  	_ =	shalt  }
0x61: {  	_ =	shalt  }
0x62: {  	_ =	shalt  }
0x63: {  	_ =	shalt  }
0x64: {  	_ =	shalt  }
0x65: {  	_ =	shalt  }
0x66: {  	_ =	shalt  }
0x67: {  	_ =	shalt  }
0x68: {  	_ =	shalt  }
0x69: {  	_ =	shalt  }
0x6a: {  	_ =	shalt  }
0x6b: {  	_ =	shalt  }
0x6c: {  	_ =	shalt  }
0x6d: {  	_ =	shalt  }
0x6e: {  	_ =	shalt  }
0x6f: {  	_ =	shalt  }
0x70: {  	_ =	shalt  }
0x71: {  	_ =	shalt  }
0x72: {  	_ =	shalt  }
0x73: {  	_ =	shalt  }
0x74: {  	_ =	shalt  }
0x75: {  	_ =	shalt  }
0x76: {  	_ =	shalt  }
0x77: {  	_ =	shalt  }
0x78: {  	_ =	shalt  }
0x79: {  	_ =	shalt  }
0x7a: {  	_ =	shalt  }
0x7b: {  	_ =	shalt  }
0x7c: {  	_ =	shalt  }
0x7d: {  	_ =	shalt  }
0x7e: {  	_ =	shalt  }
0x7f: {  	_ =	shalt  }
0x80: {  	_ =	shalt  }
0x81: {  	_ =	shalt  }
0x82: {  	_ =	shalt  }
0x83: {  	_ =	shalt  }
0x84: {  	_ =	shalt  }
0x85: {  	_ =	shalt  }
0x86: {  	_ =	shalt  }
0x87: {  	_ =	shalt  }
.Lfunc_end0:
.L_simem_size_0:
called_computation_lowered:
.L_overlay_start_0:
0x88: {  	s2 =	sld [smem:$0x3FD9]  }
0x89: {  	s3 =	sld [smem:$0x3FFE];
	_ =	sdelay $0x1  }
0x8a: {  	s1 =	srdreg.scid  }
0x8b: {  	s0 =	sand.u32 $0x1, s1  }
0x8c: {  	s15 =	sshll.u32 s0, $0xA;
	s2 =	sadd.s32 s3, s2  }
0x8d: {  	s2 =	sadd.s32 s2, s15  }
0x8e: {  	[smem:$0x3FC6] =	sst s2  }
0x8f: {  	_ = 	snop  }
0x90: {  	s2 =	sld [smem:$0x3FD0];
	_ =	sdelay $0x1  }
0x91: {  	s16 =	sld [smem:$0x3FC9]  }
0x92: {  	s5 =	simm.s32 $0xA;
	s6 =	simm.s32 $0x10;
	s4 =	sld [smem:$0x3FC8]  }
0x93: {  	[smem:s6], [sflag:s5] =	dma.local [hbm:s2], $0x1  }
0x94: {  	_ =	swait.eq [sflag:s5], $0x1  }
0x95: {  	[sflag:s5] =	ssyncset.done $0x0  }
0x96: {  	s17 =	sld [smem:$0x10];
	[sflag:s5] =	ssyncadd.s32 $0xFFFFFFFF  }
0x97: {  	s18 =	sld [smem:$0x11];
	(tm) =	ssettm $0x1  }
0x98: {  	s19 =	sld [smem:$0x3FFB];
	_ =	sdelay $0x3  }
0x99: {  	_ =	strace s19  }
0x9a: {  	s6 =	sld [smem:$0x3FFC];
	_ =	sdelay $0x3  }
0x9b: {  	_ =	strace s6  }
0x9c: {  	s6 =	sld [smem:$0x3FFD];
	_ =	sdelay $0x3  }
0x9d: {  	_ =	strace s6  }
0x9e: {  	_ =	strace $0x8FFFFFFF  }
0x9f: {  	s20 =	sld [smem:$0x3FDB];
	_ =	sdelay $0x1  }
0xa0: {  	s7 =	simm.s32 $_scs_section_size  }
0xa1: {  	s8 =	simm.s32 $_size__tile_overlayer_lowered;
	s9 =	simm.s32 $_tile_overlayer_lowered  }
0xa2: {  	s23 =	simm.s32 $0x1BFF;
	s22 =	sshll.u32 s9, $0x1;
	s6 =	sadd.s32 s7, s20  }
0xa3: {  	s10 =	simm.s32 $0x0;
	s21 =	sshll.u32 s8, $0x1;
	s8 =	sadd.s32 s22, s6  }
0xa4: {  	[timem:s10], [sflag:s23] =	dma.local [hbm:s8], s21  }
0xa5: {  	_ =	swait.ge [sflag:s23], s21  }
0xa6: {  	s7 =	ssub.s32 $0x0, s21;
	[sflag:s23] =	ssyncset.done $0x0  }
0xa7: {  	[sflag:s23] =	ssyncadd.s32 s7;
	_ =	sdelay $0x1  }
0xa8: {  	s24 =	simm.s32 $0x1B8B  }
0xa9: {  	_ =	swait.ge [sflag:s24], $0x1  }
0xaa: {  	[sflag:s24] =	ssyncset.done $0x0  }
0xab: {  	s25 =	simm.s32 $0x1B8E;
	[sflag:s24] =	ssyncadd.s32 $0xFFFFFFFF  }
0xac: {  	s26 =	simm.s32 $execute0_lowered;
	[smem:$0x3FD2] =	sst s25  }
0xad: {  	s7 =	sshll.u32 s26, $0x1;
	_ =	strace $0x80000046;
	[dreg:$0x1] =	wrdreg $0xFFFFFFFF  }
0xae: {  	s28 =	simm.s32 $_size_execute0_lowered;
	s6 =	sadd.s32 s6, s7;
	[dreg:$0x0] =	wrdreg $0x0  }
0xaf: {  	s7 =	sshll.u32 s28, $0x1;
	[dreg:$0x2] =	wrdreg s6  }
0xb0: {  	[dreg:$0x3] =	wrdreg s7  }
0xb1: {  	[dreg:$0x4] =	wrdreg $0xC0  }
0xb2: {  	_ =	task [dreg:s10], $0x5FFFF  }
0xb3: {  	[dreg:$0x1] =	wrdreg $0xFFFFFFFF  }
0xb4: {  	[dreg:$0x0] =	wrdreg $0x60  }
0xb5: {  	[dreg:$0x2] =	wrdreg s16  }
0xb6: {  	[dreg:$0x3] =	wrdreg s4  }
0xb7: {  	[dreg:$0x4] =	wrdreg s17  }
0xb8: {  	[dreg:$0x5] =	wrdreg s18  }
0xb9: {  	[dreg:$0x6] =	wrdreg $0x9  }
0xba: {  	_ =	task.clear_ibuf [dreg:s10], $0x7FFFF;
	_ =	strace $0x90000046  }
0xbb: {  	s29 =	simm.s32 $0x9;
	_ =	strace $0x80000048  }
0xbc: {  	_ =	swait.ge [sflag:s29], $0x1  }
0xbd: {  	[sflag:s29] =	ssyncadd.s32 $0xFFFFFFFF  }
0xbe: {  	_ =	strace $0x90000048  }
0xbf: {  	_ =	sfence  }
0xc0: {  	s30 =	sld [smem:$0x0];
	_ =	sdelay $0x2  }
0xc1: {  	s31 =	sshll.u32 s1, $0xD;
	s1 =	sshrl.u32 s1, $0x2  }
0xc2: {  	s3 =	sand.u32 $0x4000, s31;
	s1 =	sadd.s32 s1, s30  }
0xc3: {  	s0 =	sor.u32 s3, s0;
	s1 =	sshll.u32 s1, $0x11  }
0xc4: {  	s0 =	sor.u32 s1, s0  }
0xc5: {  	s0 =	sadd.s32 $0x8F2B, s0  }
0xc6: {  	[sflag:s0] =	ssyncadd.remote.s32 $0x1  }
0xc7: {  	_ =	sfence.sel $0xFFFF  }
0xc8: {  	[dreg:$0x0] =	wrdreg $0xFFFFFFFF;
	(pc) =	sbr.abs _section_cstart, $3  }
0xc9: {  	[dreg:$0x1] =	wrdreg $0xFFFFFFFF  }
0xca: {  	_ =	task.clear_ibuf [dreg:s10], $0x2FFFF;
	_ =	strace $0x9FFFFFFF  }
0xcb: {  	(tm) =	ssettm $0x7FFFFFFF  }
tec
execute0_lowered:
.L_overlay_start_1:
0x0: {  	(tag) =	ssettag $0x1  }
0x1: {  	s7 =	rddreg [dreg:$0x0]  }
0x2: {  	s5 =	rddreg [dreg:$0x1]  }
0x3: {  	s0 =	srdreg.scid;
	s6 =	rddreg [dreg:$0x2]  }
0x4: {  	s4 =	rddreg [dreg:$0x3];
	s2 =	simm.s32 $0x0;
	s1 =	stileid.u32  }
0x5: {  	s12 =	simm.s32 $0x1000;
	s13 =	simm.s32 $0x1400;
	s14 =	simm.s32 $0x1  }
0x6: {  	s15 =	simm.s32 $0x0;
	s8 =	sand.u32 $0x1, s0;
	s0 =	rddreg [dreg:$0x4]  }
0x7: {  	[smem:$0x7FF] =	sst s2;
	s28 =	sshll.u32 s1, $0x9;
	s10 =	sshll.u32 s1, $0xA  }
0x8: {  	s30 =	sshll.u32 s1, $0x8;
	s3 =	ssub.s32 $0x2, s8;
	_ =	strace $0x80000047  }
0x9: {  	s4 =	sadd.s32 s28, s4;
	s29 =	sshll.u32 s8, $0x8;
	s6 =	sadd.s32 s10, s6  }
0xa: {  	s31 =	sshll.u32 s8, $0x9;
	s11 =	sadd.s32 s30, s5;
	s8 =	sshll.u32 s8, $0x7  }
0xb: {  	s7 =	sadd.s32 s30, s7;
	s10 =	simm.s32 $0xC00;
	s9 =	sshrl.u32 s3, $0x1  }
0xc: {  	s4 =	sadd.s32 s29, s4;
	s5 =	sadd.s32 s31, s6;
	s6 =	sadd.s32 s8, s11  }
0xd: {  	s7 =	sadd.s32 s8, s7;
	s8 =	simm.s32 $0x400;
	s3 =	ssub.s32 s3, s9  }
0xe: {  	s11 =	simm.s32 $0x2;
	s9 =	simm.s32 $0x20000;
	s3 =	smax.u32 s3, $0x1  }
.LBB2_1:
0xf: {  	s16 =	sadd.s32 $0x0, s7  }
0x10: {  	[tilespmem:s2], [sflag:$0x2] =	stream.strided.gather [hbm4b:s16+s8], $0xC00, s9, s8, $0x38;
	[tilespmem:$0x1800] =	vst v63  }
0x11: {  	s16 =	sadd.s32 $0xC000, s16  }
0x12: {  	[tilespmem:s10], [sflag:$0x2] =	stream.linear.gather [hbm4b:s16+s2], $0x100, $0x38;
	[tilespmem:$0x1800] =	vst v63  }
0x13: {  	_ =	swait.ge [sflag:s11], $0xD00  }
0x14: {  	[sflag:s11] =	ssyncset.done $0x0  }
0x15: {  	s31 =	sadd.s32 $0x0, s6;
	[sflag:s11] =	ssyncadd.s32 $0xFFFFF300  }
0x16: {  	[tilespmem:s12], [sflag:$0x2] =	stream.linear.gather [hbm4b:s31+s2], $0x400, $0x38;
	[tilespmem:$0x1800] =	vst v63  }
0x17: {  	s16 =	sadd.s32 $0x4000, s31  }
0x18: {  	[tilespmem:s13], [sflag:$0x2] =	stream.linear.gather [hbm4b:s16+s2], $0x280, $0x38;
	[tilespmem:$0x1800] =	vst v63  }
0x19: {  	_ =	swait.ge [sflag:s11], $0x680  }
0x1a: {  	[sflag:s11] =	ssyncset.done $0x0  }
0x1b: {  	[sflag:s11] =	ssyncadd.s32 $0xFFFFF980  }
0x1c: {  	[hbm4b:s5+s2] =	stream.linear.scatter [tilespmem:s2], [sflag:$0x1], $0x1000, $0x38;
	[tilespmem:$0x1800] =	vst v63  }
0x1d: {  	_ = 	snop  }
0x1e: {  	[hbm4b:s4+s2] =	stream.linear.scatter [tilespmem:s12], [sflag:$0x1], $0x800, $0x38;
	[tilespmem:$0x1800] =	vst v63  }
0x1f: {  	_ =	swait.ge [sflag:s14], $0x1000  }
0x20: {  	[sflag:s14] =	ssyncset.done $0x0  }
0x21: {  	[sflag:s14] =	ssyncadd.s32 $0xFFFFF000  }
0x22: {  	s18 =	simm.s32 $0x1000;
	s19 =	simm.s32 $0x2000;
	_ =	swait.ge [sflag:s14], $0x800  }
0x23: {  	s17 =	sadd.s32 $0x4000, s5;
	s16 =	sadd.s32 $0x2000, s4;
	[sflag:s14] =	ssyncset.done $0x0  }
.LBB2_2:
0x24: {  	s20 =	sadd.s32 s18, s7  }
0x25: {  	[sflag:s14] =	ssyncadd.s32 $0xFFFFF800;
	s21 =	smov.u32 s19;
	s22 =	sadd.s32 $0x1000, s19  }
0x26: {  	[tilespmem:s2], [sflag:$0x2] =	stream.strided.gather [hbm4b:s20+s8], $0xC00, s9, s8, $0x38;
	[tilespmem:$0x1800] =	vst v63  }
0x27: {  	p0 =	sne.s32 s19, $0x3000;
	s19 =	sadd.s32 $0xC000, s20  }
0x28: {  	[tilespmem:s10], [sflag:$0x2] =	stream.linear.gather [hbm4b:s19+s2], $0x100, $0x38;
	[tilespmem:$0x1800] =	vst v63  }
0x29: {  	_ =	swait.ge [sflag:s11], $0xD00  }
0x2a: {  	[sflag:s11] =	ssyncset.done $0x0  }
0x2b: {  	s19 =	sadd.s32 s18, s6;
	s18 =	smov.u32 s21;
	[sflag:s11] =	ssyncadd.s32 $0xFFFFF300  }
0x2c: {  	[tilespmem:s12], [sflag:$0x2] =	stream.linear.gather [hbm4b:s19+s2], $0x400, $0x38;
	[tilespmem:$0x1800] =	vst v63  }
0x2d: {  	s19 =	sadd.s32 $0x4000, s19  }
0x2e: {  	[tilespmem:s13], [sflag:$0x2] =	stream.linear.gather [hbm4b:s19+s2], $0x280, $0x38;
	[tilespmem:$0x1800] =	vst v63  }
0x2f: {  	_ =	swait.ge [sflag:s11], $0x680  }
0x30: {  	[sflag:s11] =	ssyncset.done $0x0  }
0x31: {  	[sflag:s11] =	ssyncadd.s32 $0xFFFFF980  }
0x32: {  	[hbm4b:s17+s2] =	stream.linear.scatter [tilespmem:s2], [sflag:$0x1], $0x1000, $0x38;
	[tilespmem:$0x1800] =	vst v63  }
0x33: {  	_ = 	snop  }
0x34: {  	[hbm4b:s16+s2] =	stream.linear.scatter [tilespmem:s12], [sflag:$0x1], $0x800, $0x38;
	[tilespmem:$0x1800] =	vst v63  }
.Ltmp0:
0x35: {  	_ =	swait.ge [sflag:s14], $0x1000;
	(pc) =	sbr.rel @p0 .LBB2_2-.Ltmp0, $4  }
0x36: {  	[sflag:s14] =	ssyncset.done $0x0  }
0x37: {  	[sflag:s14] =	ssyncadd.s32 $0xFFFFF000  }
0x38: {  	s19 =	smov.u32 s22;
	_ =	swait.ge [sflag:s14], $0x800  }
0x39: {  	s17 =	sadd.s32 $0x4000, s17;
	s16 =	sadd.s32 $0x2000, s16;
	[sflag:s14] =	ssyncset.done $0x0  }
0x3a: {  	s19 =	sadd.s32 s18, s7;
	[sflag:s14] =	ssyncadd.s32 $0xFFFFF800  }
0x3b: {  	[tilespmem:s2], [sflag:$0x2] =	stream.strided.gather [hbm4b:s19+s8], $0xC00, s9, s8, $0x38;
	[tilespmem:$0x1800] =	vst v63  }
0x3c: {  	s19 =	sadd.s32 $0xC000, s19  }
0x3d: {  	[tilespmem:s10], [sflag:$0x2] =	stream.linear.gather [hbm4b:s19+s2], $0x100, $0x38;
	[tilespmem:$0x1800] =	vst v63  }
0x3e: {  	_ =	swait.ge [sflag:s11], $0xD00  }
0x3f: {  	[sflag:s11] =	ssyncset.done $0x0  }
0x40: {  	s31 =	sadd.s32 s18, s6;
	[sflag:s11] =	ssyncadd.s32 $0xFFFFF300  }
0x41: {  	[tilespmem:s12], [sflag:$0x2] =	stream.linear.gather [hbm4b:s31+s2], $0x400, $0x38;
	[tilespmem:$0x1800] =	vst v63  }
0x42: {  	s18 =	sadd.s32 $0x4000, s31  }
0x43: {  	[tilespmem:s13], [sflag:$0x2] =	stream.linear.gather [hbm4b:s18+s2], $0x280, $0x38;
	[tilespmem:$0x1800] =	vst v63  }
0x44: {  	_ =	swait.ge [sflag:s11], $0x680  }
0x45: {  	[sflag:s11] =	ssyncset.done $0x0  }
0x46: {  	[sflag:s11] =	ssyncadd.s32 $0xFFFFF980  }
0x47: {  	[hbm4b:s17+s2] =	stream.linear.scatter [tilespmem:s2], [sflag:$0x1], $0x1000, $0x38;
	[tilespmem:$0x1800] =	vst v63  }
0x48: {  	s15 =	sadd.s32 $0x1, s15  }
0x49: {  	[hbm4b:s16+s2] =	stream.linear.scatter [tilespmem:s12], [sflag:$0x1], $0x800, $0x38;
	[tilespmem:$0x1800] =	vst v63  }
0x4a: {  	p0 =	sne.s32 s15, s3;
	_ =	swait.ge [sflag:s14], $0x1000  }
.Ltmp1:
0x4b: {  	[sflag:s14] =	ssyncset.done $0x0;
	(pc) =	sbr.rel @p0 .LBB2_1-.Ltmp1, $4  }
0x4c: {  	[sflag:s14] =	ssyncadd.s32 $0xFFFFF000  }
0x4d: {  	_ =	swait.ge [sflag:s14], $0x800  }
0x4e: {  	[sflag:s14] =	ssyncset.done $0x0  }
0x4f: {  	[sflag:s14] =	ssyncadd.s32 $0xFFFFF800  }
0x50: {  	_ =	sfence.sel $0x180000  }
0x51: {  	[bflag:$0x0] =	sbarrier.arrive $0xFFFF  }
0x52: {  	p0 =	sne.s32 s1, $0x0;
	_ =	strace $0x90000047  }
0x53: {  	s0 =	sadd.s32 @!p0 $0x100000, s0;
	[bflag:$0x2] =	sbarrier.arrive $0xFFFF  }
0x54: {  	[sflag:s0] =	ssyncadd.tile.s32 @!p0 $0x1;
	_ =	shalt  }
.Lfunc_end2:
_tile_overlayer_lowered:
.L_overlay_start_2:
0x55: {  	(tag) =	ssettag $0x2  }
0x56: {  	s0 =	rddreg [dreg:$0x0];
	s2 =	stileid.u32  }
0x57: {  	s1 =	rddreg [dreg:$0x1];
	p0 =	sne.s32 s2, $0x0  }
0x58: {  	s3 =	rddreg [dreg:$0x2];
	[bflag:$0x3] =	sbarrier.arrive $0xFFFF;
	s2 =	simm.s32 @!p0 $0x1C02  }
0x59: {  	[timem:s3], [sflag:s2] =	dma.local @!p0 [hbm:s0], s1  }
0x5a: {  	s0 =	simm.s32 @!p0 $0x2  }
0x5b: {  	_ =	swait.ge @!p0 [sflag:s0], s1  }
0x5c: {  	s1 =	ssub.s32 @!p0 $0x0, s1;
	[sflag:s0] =	ssyncset.done @!p0 $0x0  }
0x5d: {  	[sflag:s0] =	ssyncadd.s32 @!p0 s1  }
0x5e: {  	[bflag:$0x3] =	sbarrier.arrive $0xFFFF  }
0x5f: {  	_ =	shalt  }

</sc_bundles>
